<compile_context>
chip_gen: v7x
topology: tpu7x:2x2x1
jax: 0.10.2.dev20260603
libtpu: 0.0.44.dev20260713+nightly
codegen_flags: <defaults>
</compile_context>

<pallas_src>
import functools

import jax
import jax.numpy as jnp
from jax import lax
from jax.experimental import pallas as pl
from jax.experimental.pallas import tpu as pltpu
from jax.experimental.pallas import tpu_sc as plsc

D = 32
B = 4096
N = 204800
NUM_CLASS = 100
NC, NS = 2, 16
NW = NC * NS
HEAD_PER_W = B // NW
TAIL = N - B
TPT = TAIL // NW
CHUNKS = 56
K = TPT // CHUNKS
NBUF = 2
LAST_BAG_COUNT = N - B + 1
UNROLL = 8


def _sc_gather_reduce(head_idx, tail_idx, table):
    mesh = plsc.VectorSubcoreMesh(core_axis_name="c", subcore_axis_name="s")

    @functools.partial(
        pl.kernel,
        mesh=mesh,
        compiler_params=pltpu.CompilerParams(use_tc_tiling_on_sc=False),
        out_type=[
            jax.ShapeDtypeStruct((B, D), jnp.float32),
            jax.ShapeDtypeStruct((NW, D), jnp.float32),
        ],
        scratch_types=[
            pltpu.VMEM((HEAD_PER_W,), jnp.int32),
            pltpu.VMEM((HEAD_PER_W, D), jnp.float32),
            pltpu.VMEM((CHUNKS, K), jnp.int32),
            pltpu.VMEM((K, D), jnp.float32),
            pltpu.VMEM((K, D), jnp.float32),
            pltpu.VMEM((D,), jnp.float32),
            pltpu.SemaphoreType.DMA,
            pltpu.SemaphoreType.DMA,
            pltpu.SemaphoreType.DMA,
        ],
    )
    def k(head_hbm, tail_hbm, table_hbm, g_hbm, pp_hbm,
          hidx_v, hrows_v, tidx_v, buf0, buf1, accv, sem_h, sem0, sem1):
        wid = lax.axis_index("s") * NC + lax.axis_index("c")
        pltpu.sync_copy(head_hbm.at[wid], hidx_v)
        pltpu.sync_copy(tail_hbm.at[wid], tidx_v)
        hcp = pltpu.async_copy(table_hbm.at[hidx_v], hrows_v, sem_h)
        pltpu.async_copy(table_hbm.at[tidx_v.at[0]], buf0, sem0)
        pltpu.async_copy(table_hbm.at[tidx_v.at[1]], buf1, sem1)
        hcp.wait()
        pltpu.sync_copy(hrows_v, g_hbm.at[pl.ds(wid * HEAD_PER_W, HEAD_PER_W)])

        bufs = (buf0, buf1)
        sems = (sem0, sem1)

        def outer(i, acc):
            a0, a1 = acc
            for bslot in range(NBUF):
                c = i * NBUF + bslot
                buf = bufs[bslot]
                sem = sems[bslot]
                pltpu.make_async_copy(table_hbm.at[tidx_v.at[0]], buf, sem).wait()

                @pl.when(c + NBUF < CHUNKS)
                def _fire():
                    pltpu.async_copy(table_hbm.at[tidx_v.at[c + NBUF]], buf, sem)

                def red(r, a):
                    x0, x1 = a
                    for u in range(UNROLL):
                        row = r * UNROLL + u
                        x0 = x0 + buf[row, pl.ds(0, 16)]
                        x1 = x1 + buf[row, pl.ds(16, 16)]
                    return (x0, x1)

                a0, a1 = lax.fori_loop(0, K // UNROLL, red, (a0, a1))
            return (a0, a1)

        z = jnp.zeros((16,), jnp.float32)
        a0, a1 = lax.fori_loop(0, CHUNKS // NBUF, outer, (z, z))
        accv[pl.ds(0, 16)] = a0
        accv[pl.ds(16, 16)] = a1
        pltpu.sync_copy(accv, pp_hbm.at[wid])

    return k(head_idx, tail_idx, table)


def _tc_finish(g, pp, w, bvec):
    def body(g_ref, pp_ref, w_ref, b_ref, o_ref):
        x = g_ref[:]
        tail_sum = jnp.sum(pp_ref[:], axis=0) + x[B - 1]
        mean = tail_sum * (1.0 / LAST_BAG_COUNT)
        rows = lax.broadcasted_iota(jnp.int32, (B, 1), 0)
        x = jnp.where(rows == B - 1, mean[None, :], x)
        o_ref[:] = (jnp.dot(x, w_ref[:].T, preferred_element_type=jnp.float32)
                    + b_ref[:])

    return pl.pallas_call(
        body,
        out_shape=jax.ShapeDtypeStruct((B, NUM_CLASS), jnp.float32),
    )(g, pp, w, bvec)


def kernel(text, offsets, emb_table, fc_w, fc_b):
    del offsets
    idx = text.astype(jnp.int32)
    head = idx[:B].reshape(NW, HEAD_PER_W)
    tail = idx[B:].reshape(NW, CHUNKS, K)
    g, pp = _sc_gather_reduce(head, tail, emb_table)
    return _tc_finish(g, pp, fc_w, fc_b.reshape(1, NUM_CLASS))

# --- scband reference (transcript-rebuilt; emitter-appended) ---
"""Pipeline reference for scband-net-26860725469267 (READ-ONLY COPY).

The authoritative reference and input builder live on the scoring server;
editing this copy changes nothing except your own understanding.
"""

import jax, jax.numpy as jnp
import numpy as np

VOCAB = 1000000
EMBED_DIM = 32
NUM_CLASS = 100
N_TOKENS = 204800
BATCH = 4096


def setup_inputs(seed: int = 0) -> dict:
    key = jax.random.key(seed)
    k1, k2, k3, k4 = jax.random.split(key, 4)
    text = jax.random.randint(k1, (N_TOKENS,), 0, VOCAB, dtype=jnp.int64) if jax.config.jax_enable_x64 else jax.random.randint(k1, (N_TOKENS,), 0, VOCAB, dtype=jnp.int32)
    offsets = jnp.arange(BATCH, dtype=text.dtype)
    initrange = 0.5
    emb_table = jax.random.uniform(k2, (VOCAB, EMBED_DIM), dtype=jnp.float32, minval=-initrange, maxval=initrange)
    fc_w = jax.random.uniform(k3, (NUM_CLASS, EMBED_DIM), dtype=jnp.float32, minval=-initrange, maxval=initrange)
    fc_b = jnp.zeros((NUM_CLASS,), dtype=jnp.float32)
    return {"text": text, "offsets": offsets, "emb_table": emb_table, "fc_w": fc_w, "fc_b": fc_b}


def reference(text, offsets, emb_table, fc_w, fc_b):
    # EmbeddingBag(mode='mean') with flat indices + offsets
    n = text.shape[0]
    b = offsets.shape[0]
    # segment id for each token: index of the bag it belongs to
    seg = jnp.searchsorted(offsets, jnp.arange(n), side='right') - 1
    gathered = jnp.take(emb_table, text, axis=0)  # [N, D] gather
    sums = jax.ops.segment_sum(gathered, seg, num_segments=b)  # [B, D] scatter-add
    counts = jax.ops.segment_sum(jnp.ones((n,), dtype=emb_table.dtype), seg, num_segments=b)
    embedded = sums / jnp.maximum(counts, 1.0)[:, None]
    return embedded @ fc_w.T + fc_b

if __name__ == "__main__":
    import jax
    _d = setup_inputs()
    print(jax.jit(kernel)(*tuple(_d.values())))

</pallas_src>

<mosaic_0001>
#map = affine_map<(d0, d1) -> (0, 0)>
#map1 = affine_map<(d0, d1) -> (0, 0, 0)>
module attributes {stable_mosaic.version = 14 : i64} {
  func.func @k(%arg0: i32, %arg1: i32, %arg2: memref<32x128xi32, #tpu.memory_space<hbm>>, %arg3: memref<32x56x112xi32, #tpu.memory_space<hbm>>, %arg4: memref<1000000x32xf32, #tpu.memory_space<hbm>>, %arg5: memref<4096x32xf32, #tpu.memory_space<hbm>>, %arg6: memref<32x32xf32, #tpu.memory_space<hbm>>, %arg7: memref<128xi32, #tpu.memory_space<vmem>>, %arg8: memref<128x32xf32, #tpu.memory_space<vmem>>, %arg9: memref<56x112xi32, #tpu.memory_space<vmem>>, %arg10: memref<112x32xf32, #tpu.memory_space<vmem>>, %arg11: memref<112x32xf32, #tpu.memory_space<vmem>>, %arg12: memref<32xf32, #tpu.memory_space<vmem>>, %arg13: memref<!tpu.dma_semaphore, #tpu.memory_space<semaphore_mem>>, %arg14: memref<!tpu.dma_semaphore, #tpu.memory_space<semaphore_mem>>, %arg15: memref<!tpu.dma_semaphore, #tpu.memory_space<semaphore_mem>>) attributes {dimension_semantics = [#tpu.dimension_semantics<core_parallel>, #tpu.dimension_semantics<subcore_parallel>], iteration_bounds = array<i64: 2, 16>, scalar_prefetch = 0 : i64, scratch_operands = 9 : i64, tpu.core_type = #tpu.core_type<sc_vector_subcore>, window_params = [{transform_indices = #map}, {transform_indices = #map1}, {transform_indices = #map}, {transform_indices = #map}, {transform_indices = #map}]} {
    %mul3A = arith.constant 2 : i32
    %mul3A_0 = arith.muli %arg1, %mul3A : i32
    %add3A = arith.addi %mul3A_0, %arg0 : i32
    "tpu.region"() ({
      %run_scoped3A = tpu.sem_alloc : memref<!tpu.dma_semaphore, #tpu.memory_space<semaphore_mem>>
      %dma_start3A_34 = arith.constant 0 : i32
      %dma_start3A_35 = tpu.memref_slice %arg2[%add3A, %dma_start3A_34] : memref<32x128xi32, #tpu.memory_space<hbm>> -> memref<1x128xi32, #tpu.memory_space<hbm>>
      %dma_start3A_36 = tpu.memref_squeeze %dma_start3A_35 : memref<1x128xi32, #tpu.memory_space<hbm>> -> memref<128xi32, #tpu.memory_space<hbm>>
      %dma_start3A_37 = arith.constant 0 : i32
      %dma_start3A_38 = tpu.memref_slice %arg2[%add3A, %dma_start3A_37] : memref<32x128xi32, #tpu.memory_space<hbm>> -> memref<1x128xi32, #tpu.memory_space<hbm>>
      %dma_start3A_39 = tpu.memref_squeeze %dma_start3A_38 : memref<1x128xi32, #tpu.memory_space<hbm>> -> memref<128xi32, #tpu.memory_space<hbm>>
      tpu.enqueue_dma source(%dma_start3A_39 : memref<128xi32, #tpu.memory_space<hbm>>) target(%arg7 : memref<128xi32, #tpu.memory_space<vmem>>) target_semaphore(%run_scoped3A : memref<!tpu.dma_semaphore, #tpu.memory_space<semaphore_mem>>)
      %dma_wait3A_40 = arith.constant 0 : i32
      %dma_wait3A_41 = tpu.memref_slice %arg2[%add3A, %dma_wait3A_40] : memref<32x128xi32, #tpu.memory_space<hbm>> -> memref<1x128xi32, #tpu.memory_space<hbm>>
      %dma_wait3A_42 = tpu.memref_squeeze %dma_wait3A_41 : memref<1x128xi32, #tpu.memory_space<hbm>> -> memref<128xi32, #tpu.memory_space<hbm>>
      %dma_wait3A_43 = arith.constant 0 : i32
      %dma_wait3A_44 = tpu.memref_slice %arg2[%add3A, %dma_wait3A_43] : memref<32x128xi32, #tpu.memory_space<hbm>> -> memref<1x128xi32, #tpu.memory_space<hbm>>
      %dma_wait3A_45 = tpu.memref_squeeze %dma_wait3A_44 : memref<1x128xi32, #tpu.memory_space<hbm>> -> memref<128xi32, #tpu.memory_space<hbm>>
      tpu.wait_dma2 semaphore(%run_scoped3A : memref<!tpu.dma_semaphore, #tpu.memory_space<semaphore_mem>>) src(%dma_wait3A_45 : memref<128xi32, #tpu.memory_space<hbm>>) dst(%arg7 : memref<128xi32, #tpu.memory_space<vmem>>)
      tpu.yield
    }) : () -> ()
    "tpu.region"() ({
      %run_scoped3A = tpu.sem_alloc : memref<!tpu.dma_semaphore, #tpu.memory_space<semaphore_mem>>
      %dma_start3A_34 = arith.constant 0 : i32
      %dma_start3A_35 = arith.constant 0 : i32
      %dma_start3A_36 = tpu.memref_slice %arg3[%add3A, %dma_start3A_34, %dma_start3A_35] : memref<32x56x112xi32, #tpu.memory_space<hbm>> -> memref<1x56x112xi32, #tpu.memory_space<hbm>>
      %dma_start3A_37 = tpu.memref_squeeze %dma_start3A_36 : memref<1x56x112xi32, #tpu.memory_space<hbm>> -> memref<56x112xi32, #tpu.memory_space<hbm>>
      %dma_start3A_38 = arith.constant 0 : i32
      %dma_start3A_39 = arith.constant 0 : i32
      %dma_start3A_40 = tpu.memref_slice %arg3[%add3A, %dma_start3A_38, %dma_start3A_39] : memref<32x56x112xi32, #tpu.memory_space<hbm>> -> memref<1x56x112xi32, #tpu.memory_space<hbm>>
      %dma_start3A_41 = tpu.memref_squeeze %dma_start3A_40 : memref<1x56x112xi32, #tpu.memory_space<hbm>> -> memref<56x112xi32, #tpu.memory_space<hbm>>
      tpu.enqueue_dma source(%dma_start3A_41 : memref<56x112xi32, #tpu.memory_space<hbm>>) target(%arg9 : memref<56x112xi32, #tpu.memory_space<vmem>>) target_semaphore(%run_scoped3A : memref<!tpu.dma_semaphore, #tpu.memory_space<semaphore_mem>>)
      %dma_wait3A_42 = arith.constant 0 : i32
      %dma_wait3A_43 = arith.constant 0 : i32
      %dma_wait3A_44 = tpu.memref_slice %arg3[%add3A, %dma_wait3A_42, %dma_wait3A_43] : memref<32x56x112xi32, #tpu.memory_space<hbm>> -> memref<1x56x112xi32, #tpu.memory_space<hbm>>
      %dma_wait3A_45 = tpu.memref_squeeze %dma_wait3A_44 : memref<1x56x112xi32, #tpu.memory_space<hbm>> -> memref<56x112xi32, #tpu.memory_space<hbm>>
      %dma_wait3A_46 = arith.constant 0 : i32
      %dma_wait3A_47 = arith.constant 0 : i32
      %dma_wait3A_48 = tpu.memref_slice %arg3[%add3A, %dma_wait3A_46, %dma_wait3A_47] : memref<32x56x112xi32, #tpu.memory_space<hbm>> -> memref<1x56x112xi32, #tpu.memory_space<hbm>>
      %dma_wait3A_49 = tpu.memref_squeeze %dma_wait3A_48 : memref<1x56x112xi32, #tpu.memory_space<hbm>> -> memref<56x112xi32, #tpu.memory_space<hbm>>
      tpu.wait_dma2 semaphore(%run_scoped3A : memref<!tpu.dma_semaphore, #tpu.memory_space<semaphore_mem>>) src(%dma_wait3A_49 : memref<56x112xi32, #tpu.memory_space<hbm>>) dst(%arg9 : memref<56x112xi32, #tpu.memory_space<vmem>>)
      tpu.yield
    }) : () -> ()
    %dma_start3A = arith.constant 0 : i32
    %dma_start3A_1 = arith.constant 0 : i32
    %dma_start3A_2 = tpu.memref_slice %arg4[%dma_start3A, %dma_start3A_1] : memref<1000000x32xf32, #tpu.memory_space<hbm>> -> memref<1000000x32xf32, #tpu.memory_space<hbm>>
    tpu.enqueue_indirect_dma source(%dma_start3A_2 : memref<1000000x32xf32, #tpu.memory_space<hbm>>) target(%arg8 : memref<128x32xf32, #tpu.memory_space<vmem>>) offsets(%arg7 : memref<128xi32, #tpu.memory_space<vmem>>) semaphore(%arg13 : memref<!tpu.dma_semaphore, #tpu.memory_space<semaphore_mem>>)
    %dma_start3A_3 = arith.constant 0 : i32
    %dma_start3A_4 = arith.constant 0 : i32
    %dma_start3A_5 = tpu.memref_slice %arg9[%dma_start3A_3, %dma_start3A_4] : memref<56x112xi32, #tpu.memory_space<vmem>> -> memref<1x112xi32, #tpu.memory_space<vmem>>
    %dma_start3A_6 = tpu.memref_squeeze %dma_start3A_5 : memref<1x112xi32, #tpu.memory_space<vmem>> -> memref<112xi32, #tpu.memory_space<vmem>>
    %dma_start3A_7 = arith.constant 0 : i32
    %dma_start3A_8 = arith.constant 0 : i32
    %dma_start3A_9 = tpu.memref_slice %arg4[%dma_start3A_7, %dma_start3A_8] : memref<1000000x32xf32, #tpu.memory_space<hbm>> -> memref<1000000x32xf32, #tpu.memory_space<hbm>>
    tpu.enqueue_indirect_dma source(%dma_start3A_9 : memref<1000000x32xf32, #tpu.memory_space<hbm>>) target(%arg10 : memref<112x32xf32, #tpu.memory_space<vmem>>) offsets(%dma_start3A_6 : memref<112xi32, #tpu.memory_space<vmem>>) semaphore(%arg14 : memref<!tpu.dma_semaphore, #tpu.memory_space<semaphore_mem>>)
    %dma_start3A_10 = arith.constant 1 : i32
    %dma_start3A_11 = arith.constant 0 : i32
    %dma_start3A_12 = tpu.memref_slice %arg9[%dma_start3A_10, %dma_start3A_11] : memref<56x112xi32, #tpu.memory_space<vmem>> -> memref<1x112xi32, #tpu.memory_space<vmem>>
    %dma_start3A_13 = tpu.memref_squeeze %dma_start3A_12 : memref<1x112xi32, #tpu.memory_space<vmem>> -> memref<112xi32, #tpu.memory_space<vmem>>
    %dma_start3A_14 = arith.constant 0 : i32
    %dma_start3A_15 = arith.constant 0 : i32
    %dma_start3A_16 = tpu.memref_slice %arg4[%dma_start3A_14, %dma_start3A_15] : memref<1000000x32xf32, #tpu.memory_space<hbm>> -> memref<1000000x32xf32, #tpu.memory_space<hbm>>
    tpu.enqueue_indirect_dma source(%dma_start3A_16 : memref<1000000x32xf32, #tpu.memory_space<hbm>>) target(%arg11 : memref<112x32xf32, #tpu.memory_space<vmem>>) offsets(%dma_start3A_13 : memref<112xi32, #tpu.memory_space<vmem>>) semaphore(%arg15 : memref<!tpu.dma_semaphore, #tpu.memory_space<semaphore_mem>>)
    %dma_wait3A = arith.constant 0 : i32
    %dma_wait3A_17 = arith.constant 0 : i32
    %dma_wait3A_18 = tpu.memref_slice %arg4[%dma_wait3A, %dma_wait3A_17] : memref<1000000x32xf32, #tpu.memory_space<hbm>> -> memref<1000000x32xf32, #tpu.memory_space<hbm>>
    tpu.wait_indirect_dma semaphore(%arg13 : memref<!tpu.dma_semaphore, #tpu.memory_space<semaphore_mem>>) src(%dma_wait3A_18 : memref<1000000x32xf32, #tpu.memory_space<hbm>>) dst(%arg8 : memref<128x32xf32, #tpu.memory_space<vmem>>)
    %mul3A_19 = arith.constant 128 : i32
    %mul3A_20 = arith.muli %add3A, %mul3A_19 : i32
    "tpu.region"() ({
      %run_scoped3A = tpu.sem_alloc : memref<!tpu.dma_semaphore, #tpu.memory_space<semaphore_mem>>
      %dma_start3A_34 = arith.constant 0 : i32
      %dma_start3A_35 = tpu.memref_slice %arg5[%mul3A_20, %dma_start3A_34] : memref<4096x32xf32, #tpu.memory_space<hbm>> -> memref<128x32xf32, #tpu.memory_space<hbm>>
      %dma_start3A_36 = arith.constant 0 : i32
      %dma_start3A_37 = tpu.memref_slice %arg5[%mul3A_20, %dma_start3A_36] : memref<4096x32xf32, #tpu.memory_space<hbm>> -> memref<128x32xf32, #tpu.memory_space<hbm>>
      tpu.enqueue_dma source(%arg8 : memref<128x32xf32, #tpu.memory_space<vmem>>) target(%dma_start3A_37 : memref<128x32xf32, #tpu.memory_space<hbm>>) target_semaphore(%run_scoped3A : memref<!tpu.dma_semaphore, #tpu.memory_space<semaphore_mem>>)
      %dma_wait3A_38 = arith.constant 0 : i32
      %dma_wait3A_39 = tpu.memref_slice %arg5[%mul3A_20, %dma_wait3A_38] : memref<4096x32xf32, #tpu.memory_space<hbm>> -> memref<128x32xf32, #tpu.memory_space<hbm>>
      %dma_wait3A_40 = arith.constant 0 : i32
      %dma_wait3A_41 = tpu.memref_slice %arg5[%mul3A_20, %dma_wait3A_40] : memref<4096x32xf32, #tpu.memory_space<hbm>> -> memref<128x32xf32, #tpu.memory_space<hbm>>
      tpu.wait_dma2 semaphore(%run_scoped3A : memref<!tpu.dma_semaphore, #tpu.memory_space<semaphore_mem>>) src(%arg8 : memref<128x32xf32, #tpu.memory_space<vmem>>) dst(%dma_wait3A_41 : memref<128x32xf32, #tpu.memory_space<hbm>>)
      tpu.yield
    }) : () -> ()
    %broadcast_in_dim3A = arith.constant 0.000000e+00 : f32
    %broadcast_in_dim3A_21 = vector.broadcast %broadcast_in_dim3A : f32 to vector<16xf32>
    %scan3A = arith.constant 0 : i32
    %scan3A_22 = arith.constant 28 : i32
    %scan3A_23 = arith.addi %scan3A, %scan3A_22 : i32
    %scan3A_24 = arith.constant 1 : i32
    %scan3A_25:2 = scf.for %scan3A_34 = %scan3A to %scan3A_23 step %scan3A_24 iter_args(%scan3A_35 = %broadcast_in_dim3A_21, %scan3A_36 = %broadcast_in_dim3A_21) -> (vector<16xf32>, vector<16xf32>)  : i32 {
      %mul3A_37 = arith.constant 2 : i32
      %mul3A_38 = arith.muli %scan3A_34, %mul3A_37 : i32
      %add3A_39 = arith.constant 0 : i32
      %add3A_40 = arith.addi %mul3A_38, %add3A_39 : i32
      %dma_wait3A_41 = arith.constant 0 : i32
      %dma_wait3A_42 = arith.constant 0 : i32
      %dma_wait3A_43 = tpu.memref_slice %arg9[%dma_wait3A_41, %dma_wait3A_42] : memref<56x112xi32, #tpu.memory_space<vmem>> -> memref<1x112xi32, #tpu.memory_space<vmem>>
      %dma_wait3A_44 = tpu.memref_squeeze %dma_wait3A_43 : memref<1x112xi32, #tpu.memory_space<vmem>> -> memref<112xi32, #tpu.memory_space<vmem>>
      %dma_wait3A_45 = arith.constant 0 : i32
      %dma_wait3A_46 = arith.constant 0 : i32
      %dma_wait3A_47 = tpu.memref_slice %arg4[%dma_wait3A_45, %dma_wait3A_46] : memref<1000000x32xf32, #tpu.memory_space<hbm>> -> memref<1000000x32xf32, #tpu.memory_space<hbm>>
      tpu.wait_indirect_dma semaphore(%arg14 : memref<!tpu.dma_semaphore, #tpu.memory_space<semaphore_mem>>) src(%dma_wait3A_47 : memref<1000000x32xf32, #tpu.memory_space<hbm>>) dst(%arg10 : memref<112x32xf32, #tpu.memory_space<vmem>>)
      %add3A_48 = arith.constant 2 : i32
      %add3A_49 = arith.addi %add3A_40, %add3A_48 : i32
      %lt3A = arith.constant 56 : i32
      %lt3A_50 = arith.cmpi slt, %add3A_49, %lt3A : i32
      %convert_element_type3A = arith.extui %lt3A_50 : i1 to i32
      %cond3A = arith.constant 0 : i32
      %cond3A_51 = arith.cmpi ne, %convert_element_type3A, %cond3A : i32
      scf.if %cond3A_51 {
        %add3A_82 = arith.constant 2 : i32
        %add3A_83 = arith.addi %add3A_40, %add3A_82 : i32
        %dma_start3A_84 = arith.constant 0 : i32
        %dma_start3A_85 = tpu.memref_slice %arg9[%add3A_83, %dma_start3A_84] : memref<56x112xi32, #tpu.memory_space<vmem>> -> memref<1x112xi32, #tpu.memory_space<vmem>>
        %dma_start3A_86 = tpu.memref_squeeze %dma_start3A_85 : memref<1x112xi32, #tpu.memory_space<vmem>> -> memref<112xi32, #tpu.memory_space<vmem>>
        %dma_start3A_87 = arith.constant 0 : i32
        %dma_start3A_88 = arith.constant 0 : i32
        %dma_start3A_89 = tpu.memref_slice %arg4[%dma_start3A_87, %dma_start3A_88] : memref<1000000x32xf32, #tpu.memory_space<hbm>> -> memref<1000000x32xf32, #tpu.memory_space<hbm>>
        tpu.enqueue_indirect_dma source(%dma_start3A_89 : memref<1000000x32xf32, #tpu.memory_space<hbm>>) target(%arg10 : memref<112x32xf32, #tpu.memory_space<vmem>>) offsets(%dma_start3A_86 : memref<112xi32, #tpu.memory_space<vmem>>) semaphore(%arg14 : memref<!tpu.dma_semaphore, #tpu.memory_space<semaphore_mem>>)
      } else {
      }
      %scan3A_52 = arith.constant 0 : i32
      %scan3A_53 = arith.constant 14 : i32
      %scan3A_54 = arith.addi %scan3A_52, %scan3A_53 : i32
      %scan3A_55 = arith.constant 1 : i32
      %scan3A_56:2 = scf.for %scan3A_82 = %scan3A_52 to %scan3A_54 step %scan3A_55 iter_args(%scan3A_83 = %scan3A_35, %scan3A_84 = %scan3A_36) -> (vector<16xf32>, vector<16xf32>)  : i32 {
        %mul3A_85 = arith.constant 8 : i32
        %mul3A_86 = arith.muli %scan3A_82, %mul3A_85 : i32
        %add3A_87 = arith.constant 0 : i32
        %add3A_88 = arith.addi %mul3A_86, %add3A_87 : i32
        %get3A = arith.index_cast %add3A_88 : i32 to index
        %get3A_89 = arith.constant 0 : index
        %get3A_90 = tpu.vector_load %arg10[%get3A, %get3A_89] {strides = array<i32>} : memref<112x32xf32, #tpu.memory_space<vmem>>, vector<1x16xf32>,
        %get3A_91 = vector.shape_cast %get3A_90 : vector<1x16xf32> to vector<16xf32>
        %add3A_92 = arith.addf %scan3A_83, %get3A_91 : vector<16xf32>
        %get3A_93 = arith.index_cast %add3A_88 : i32 to index
        %get3A_94 = arith.constant 16 : index
        %get3A_95 = tpu.vector_load %arg10[%get3A_93, %get3A_94] {strides = array<i32>} : memref<112x32xf32, #tpu.memory_space<vmem>>, vector<1x16xf32>,
        %get3A_96 = vector.shape_cast %get3A_95 : vector<1x16xf32> to vector<16xf32>
        %add3A_97 = arith.addf %scan3A_84, %get3A_96 : vector<16xf32>
        %mul3A_98 = arith.constant 8 : i32
        %mul3A_99 = arith.muli %scan3A_82, %mul3A_98 : i32
        %add3A_100 = arith.constant 1 : i32
        %add3A_101 = arith.addi %mul3A_99, %add3A_100 : i32
        %get3A_102 = arith.index_cast %add3A_101 : i32 to index
        %get3A_103 = arith.constant 0 : index
        %get3A_104 = tpu.vector_load %arg10[%get3A_102, %get3A_103] {strides = array<i32>} : memref<112x32xf32, #tpu.memory_space<vmem>>, vector<1x16xf32>,
        %get3A_105 = vector.shape_cast %get3A_104 : vector<1x16xf32> to vector<16xf32>
        %add3A_106 = arith.addf %add3A_92, %get3A_105 : vector<16xf32>
        %get3A_107 = arith.index_cast %add3A_101 : i32 to index
        %get3A_108 = arith.constant 16 : index
        %get3A_109 = tpu.vector_load %arg10[%get3A_107, %get3A_108] {strides = array<i32>} : memref<112x32xf32, #tpu.memory_space<vmem>>, vector<1x16xf32>,
        %get3A_110 = vector.shape_cast %get3A_109 : vector<1x16xf32> to vector<16xf32>
        %add3A_111 = arith.addf %add3A_97, %get3A_110 : vector<16xf32>
        %mul3A_112 = arith.constant 8 : i32
        %mul3A_113 = arith.muli %scan3A_82, %mul3A_112 : i32
        %add3A_114 = arith.constant 2 : i32
        %add3A_115 = arith.addi %mul3A_113, %add3A_114 : i32
        %get3A_116 = arith.index_cast %add3A_115 : i32 to index
        %get3A_117 = arith.constant 0 : index
        %get3A_118 = tpu.vector_load %arg10[%get3A_116, %get3A_117] {strides = array<i32>} : memref<112x32xf32, #tpu.memory_space<vmem>>, vector<1x16xf32>,
        %get3A_119 = vector.shape_cast %get3A_118 : vector<1x16xf32> to vector<16xf32>
        %add3A_120 = arith.addf %add3A_106, %get3A_119 : vector<16xf32>
        %get3A_121 = arith.index_cast %add3A_115 : i32 to index
        %get3A_122 = arith.constant 16 : index
        %get3A_123 = tpu.vector_load %arg10[%get3A_121, %get3A_122] {strides = array<i32>} : memref<112x32xf32, #tpu.memory_space<vmem>>, vector<1x16xf32>,
        %get3A_124 = vector.shape_cast %get3A_123 : vector<1x16xf32> to vector<16xf32>
        %add3A_125 = arith.addf %add3A_111, %get3A_124 : vector<16xf32>
        %mul3A_126 = arith.constant 8 : i32
        %mul3A_127 = arith.muli %scan3A_82, %mul3A_126 : i32
        %add3A_128 = arith.constant 3 : i32
        %add3A_129 = arith.addi %mul3A_127, %add3A_128 : i32
        %get3A_130 = arith.index_cast %add3A_129 : i32 to index
        %get3A_131 = arith.constant 0 : index
        %get3A_132 = tpu.vector_load %arg10[%get3A_130, %get3A_131] {strides = array<i32>} : memref<112x32xf32, #tpu.memory_space<vmem>>, vector<1x16xf32>,
        %get3A_133 = vector.shape_cast %get3A_132 : vector<1x16xf32> to vector<16xf32>
        %add3A_134 = arith.addf %add3A_120, %get3A_133 : vector<16xf32>
        %get3A_135 = arith.index_cast %add3A_129 : i32 to index
        %get3A_136 = arith.constant 16 : index
        %get3A_137 = tpu.vector_load %arg10[%get3A_135, %get3A_136] {strides = array<i32>} : memref<112x32xf32, #tpu.memory_space<vmem>>, vector<1x16xf32>,
        %get3A_138 = vector.shape_cast %get3A_137 : vector<1x16xf32> to vector<16xf32>
        %add3A_139 = arith.addf %add3A_125, %get3A_138 : vector<16xf32>
        %mul3A_140 = arith.constant 8 : i32
        %mul3A_141 = arith.muli %scan3A_82, %mul3A_140 : i32
        %add3A_142 = arith.constant 4 : i32
        %add3A_143 = arith.addi %mul3A_141, %add3A_142 : i32
        %get3A_144 = arith.index_cast %add3A_143 : i32 to index
        %get3A_145 = arith.constant 0 : index
        %get3A_146 = tpu.vector_load %arg10[%get3A_144, %get3A_145] {strides = array<i32>} : memref<112x32xf32, #tpu.memory_space<vmem>>, vector<1x16xf32>,
        %get3A_147 = vector.shape_cast %get3A_146 : vector<1x16xf32> to vector<16xf32>
        %add3A_148 = arith.addf %add3A_134, %get3A_147 : vector<16xf32>
        %get3A_149 = arith.index_cast %add3A_143 : i32 to index
        %get3A_150 = arith.constant 16 : index
        %get3A_151 = tpu.vector_load %arg10[%get3A_149, %get3A_150] {strides = array<i32>} : memref<112x32xf32, #tpu.memory_space<vmem>>, vector<1x16xf32>,
        %get3A_152 = vector.shape_cast %get3A_151 : vector<1x16xf32> to vector<16xf32>
        %add3A_153 = arith.addf %add3A_139, %get3A_152 : vector<16xf32>
        %mul3A_154 = arith.constant 8 : i32
        %mul3A_155 = arith.muli %scan3A_82, %mul3A_154 : i32
        %add3A_156 = arith.constant 5 : i32
        %add3A_157 = arith.addi %mul3A_155, %add3A_156 : i32
        %get3A_158 = arith.index_cast %add3A_157 : i32 to index
        %get3A_159 = arith.constant 0 : index
        %get3A_160 = tpu.vector_load %arg10[%get3A_158, %get3A_159] {strides = array<i32>} : memref<112x32xf32, #tpu.memory_space<vmem>>, vector<1x16xf32>,
        %get3A_161 = vector.shape_cast %get3A_160 : vector<1x16xf32> to vector<16xf32>
        %add3A_162 = arith.addf %add3A_148, %get3A_161 : vector<16xf32>
        %get3A_163 = arith.index_cast %add3A_157 : i32 to index
        %get3A_164 = arith.constant 16 : index
        %get3A_165 = tpu.vector_load %arg10[%get3A_163, %get3A_164] {strides = array<i32>} : memref<112x32xf32, #tpu.memory_space<vmem>>, vector<1x16xf32>,
        %get3A_166 = vector.shape_cast %get3A_165 : vector<1x16xf32> to vector<16xf32>
        %add3A_167 = arith.addf %add3A_153, %get3A_166 : vector<16xf32>
        %mul3A_168 = arith.constant 8 : i32
        %mul3A_169 = arith.muli %scan3A_82, %mul3A_168 : i32
        %add3A_170 = arith.constant 6 : i32
        %add3A_171 = arith.addi %mul3A_169, %add3A_170 : i32
        %get3A_172 = arith.index_cast %add3A_171 : i32 to index
        %get3A_173 = arith.constant 0 : index
        %get3A_174 = tpu.vector_load %arg10[%get3A_172, %get3A_173] {strides = array<i32>} : memref<112x32xf32, #tpu.memory_space<vmem>>, vector<1x16xf32>,
        %get3A_175 = vector.shape_cast %get3A_174 : vector<1x16xf32> to vector<16xf32>
        %add3A_176 = arith.addf %add3A_162, %get3A_175 : vector<16xf32>
        %get3A_177 = arith.index_cast %add3A_171 : i32 to index
        %get3A_178 = arith.constant 16 : index
        %get3A_179 = tpu.vector_load %arg10[%get3A_177, %get3A_178] {strides = array<i32>} : memref<112x32xf32, #tpu.memory_space<vmem>>, vector<1x16xf32>,
        %get3A_180 = vector.shape_cast %get3A_179 : vector<1x16xf32> to vector<16xf32>
        %add3A_181 = arith.addf %add3A_167, %get3A_180 : vector<16xf32>
        %mul3A_182 = arith.constant 8 : i32
        %mul3A_183 = arith.muli %scan3A_82, %mul3A_182 : i32
        %add3A_184 = arith.constant 7 : i32
        %add3A_185 = arith.addi %mul3A_183, %add3A_184 : i32
        %get3A_186 = arith.index_cast %add3A_185 : i32 to index
        %get3A_187 = arith.constant 0 : index
        %get3A_188 = tpu.vector_load %arg10[%get3A_186, %get3A_187] {strides = array<i32>} : memref<112x32xf32, #tpu.memory_space<vmem>>, vector<1x16xf32>,
        %get3A_189 = vector.shape_cast %get3A_188 : vector<1x16xf32> to vector<16xf32>
        %add3A_190 = arith.addf %add3A_176, %get3A_189 : vector<16xf32>
        %get3A_191 = arith.index_cast %add3A_185 : i32 to index
        %get3A_192 = arith.constant 16 : index
        %get3A_193 = tpu.vector_load %arg10[%get3A_191, %get3A_192] {strides = array<i32>} : memref<112x32xf32, #tpu.memory_space<vmem>>, vector<1x16xf32>,
        %get3A_194 = vector.shape_cast %get3A_193 : vector<1x16xf32> to vector<16xf32>
        %add3A_195 = arith.addf %add3A_181, %get3A_194 : vector<16xf32>
        scf.yield %add3A_190, %add3A_195 : vector<16xf32>, vector<16xf32>
      }
      %scan3A_57 = arith.constant 14 : i32
      %mul3A_58 = arith.constant 2 : i32
      %mul3A_59 = arith.muli %scan3A_34, %mul3A_58 : i32
      %add3A_60 = arith.constant 1 : i32
      %add3A_61 = arith.addi %mul3A_59, %add3A_60 : i32
      %dma_wait3A_62 = arith.constant 0 : i32
      %dma_wait3A_63 = arith.constant 0 : i32
      %dma_wait3A_64 = tpu.memref_slice %arg9[%dma_wait3A_62, %dma_wait3A_63] : memref<56x112xi32, #tpu.memory_space<vmem>> -> memref<1x112xi32, #tpu.memory_space<vmem>>
      %dma_wait3A_65 = tpu.memref_squeeze %dma_wait3A_64 : memref<1x112xi32, #tpu.memory_space<vmem>> -> memref<112xi32, #tpu.memory_space<vmem>>
      %dma_wait3A_66 = arith.constant 0 : i32
      %dma_wait3A_67 = arith.constant 0 : i32
      %dma_wait3A_68 = tpu.memref_slice %arg4[%dma_wait3A_66, %dma_wait3A_67] : memref<1000000x32xf32, #tpu.memory_space<hbm>> -> memref<1000000x32xf32, #tpu.memory_space<hbm>>
      tpu.wait_indirect_dma semaphore(%arg15 : memref<!tpu.dma_semaphore, #tpu.memory_space<semaphore_mem>>) src(%dma_wait3A_68 : memref<1000000x32xf32, #tpu.memory_space<hbm>>) dst(%arg11 : memref<112x32xf32, #tpu.memory_space<vmem>>)
      %add3A_69 = arith.constant 2 : i32
      %add3A_70 = arith.addi %add3A_61, %add3A_69 : i32
      %lt3A_71 = arith.constant 56 : i32
      %lt3A_72 = arith.cmpi slt, %add3A_70, %lt3A_71 : i32
      %convert_element_type3A_73 = arith.extui %lt3A_72 : i1 to i32
      %cond3A_74 = arith.constant 0 : i32
      %cond3A_75 = arith.cmpi ne, %convert_element_type3A_73, %cond3A_74 : i32
      scf.if %cond3A_75 {
        %add3A_82 = arith.constant 2 : i32
        %add3A_83 = arith.addi %add3A_61, %add3A_82 : i32
        %dma_start3A_84 = arith.constant 0 : i32
        %dma_start3A_85 = tpu.memref_slice %arg9[%add3A_83, %dma_start3A_84] : memref<56x112xi32, #tpu.memory_space<vmem>> -> memref<1x112xi32, #tpu.memory_space<vmem>>
        %dma_start3A_86 = tpu.memref_squeeze %dma_start3A_85 : memref<1x112xi32, #tpu.memory_space<vmem>> -> memref<112xi32, #tpu.memory_space<vmem>>
        %dma_start3A_87 = arith.constant 0 : i32
        %dma_start3A_88 = arith.constant 0 : i32
        %dma_start3A_89 = tpu.memref_slice %arg4[%dma_start3A_87, %dma_start3A_88] : memref<1000000x32xf32, #tpu.memory_space<hbm>> -> memref<1000000x32xf32, #tpu.memory_space<hbm>>
        tpu.enqueue_indirect_dma source(%dma_start3A_89 : memref<1000000x32xf32, #tpu.memory_space<hbm>>) target(%arg11 : memref<112x32xf32, #tpu.memory_space<vmem>>) offsets(%dma_start3A_86 : memref<112xi32, #tpu.memory_space<vmem>>) semaphore(%arg15 : memref<!tpu.dma_semaphore, #tpu.memory_space<semaphore_mem>>)
      } else {
      }
      %scan3A_76 = arith.constant 0 : i32
      %scan3A_77 = arith.constant 14 : i32
      %scan3A_78 = arith.addi %scan3A_76, %scan3A_77 : i32
      %scan3A_79 = arith.constant 1 : i32
      %scan3A_80:2 = scf.for %scan3A_82 = %scan3A_76 to %scan3A_78 step %scan3A_79 iter_args(%scan3A_83 = %scan3A_56#0, %scan3A_84 = %scan3A_56#1) -> (vector<16xf32>, vector<16xf32>)  : i32 {
        %mul3A_85 = arith.constant 8 : i32
        %mul3A_86 = arith.muli %scan3A_82, %mul3A_85 : i32
        %add3A_87 = arith.constant 0 : i32
        %add3A_88 = arith.addi %mul3A_86, %add3A_87 : i32
        %get3A = arith.index_cast %add3A_88 : i32 to index
        %get3A_89 = arith.constant 0 : index
        %get3A_90 = tpu.vector_load %arg11[%get3A, %get3A_89] {strides = array<i32>} : memref<112x32xf32, #tpu.memory_space<vmem>>, vector<1x16xf32>,
        %get3A_91 = vector.shape_cast %get3A_90 : vector<1x16xf32> to vector<16xf32>
        %add3A_92 = arith.addf %scan3A_83, %get3A_91 : vector<16xf32>
        %get3A_93 = arith.index_cast %add3A_88 : i32 to index
        %get3A_94 = arith.constant 16 : index
        %get3A_95 = tpu.vector_load %arg11[%get3A_93, %get3A_94] {strides = array<i32>} : memref<112x32xf32, #tpu.memory_space<vmem>>, vector<1x16xf32>,
        %get3A_96 = vector.shape_cast %get3A_95 : vector<1x16xf32> to vector<16xf32>
        %add3A_97 = arith.addf %scan3A_84, %get3A_96 : vector<16xf32>
        %mul3A_98 = arith.constant 8 : i32
        %mul3A_99 = arith.muli %scan3A_82, %mul3A_98 : i32
        %add3A_100 = arith.constant 1 : i32
        %add3A_101 = arith.addi %mul3A_99, %add3A_100 : i32
        %get3A_102 = arith.index_cast %add3A_101 : i32 to index
        %get3A_103 = arith.constant 0 : index
        %get3A_104 = tpu.vector_load %arg11[%get3A_102, %get3A_103] {strides = array<i32>} : memref<112x32xf32, #tpu.memory_space<vmem>>, vector<1x16xf32>,
        %get3A_105 = vector.shape_cast %get3A_104 : vector<1x16xf32> to vector<16xf32>
        %add3A_106 = arith.addf %add3A_92, %get3A_105 : vector<16xf32>
        %get3A_107 = arith.index_cast %add3A_101 : i32 to index
        %get3A_108 = arith.constant 16 : index
        %get3A_109 = tpu.vector_load %arg11[%get3A_107, %get3A_108] {strides = array<i32>} : memref<112x32xf32, #tpu.memory_space<vmem>>, vector<1x16xf32>,
        %get3A_110 = vector.shape_cast %get3A_109 : vector<1x16xf32> to vector<16xf32>
        %add3A_111 = arith.addf %add3A_97, %get3A_110 : vector<16xf32>
        %mul3A_112 = arith.constant 8 : i32
        %mul3A_113 = arith.muli %scan3A_82, %mul3A_112 : i32
        %add3A_114 = arith.constant 2 : i32
        %add3A_115 = arith.addi %mul3A_113, %add3A_114 : i32
        %get3A_116 = arith.index_cast %add3A_115 : i32 to index
        %get3A_117 = arith.constant 0 : index
        %get3A_118 = tpu.vector_load %arg11[%get3A_116, %get3A_117] {strides = array<i32>} : memref<112x32xf32, #tpu.memory_space<vmem>>, vector<1x16xf32>,
        %get3A_119 = vector.shape_cast %get3A_118 : vector<1x16xf32> to vector<16xf32>
        %add3A_120 = arith.addf %add3A_106, %get3A_119 : vector<16xf32>
        %get3A_121 = arith.index_cast %add3A_115 : i32 to index
        %get3A_122 = arith.constant 16 : index
        %get3A_123 = tpu.vector_load %arg11[%get3A_121, %get3A_122] {strides = array<i32>} : memref<112x32xf32, #tpu.memory_space<vmem>>, vector<1x16xf32>,
        %get3A_124 = vector.shape_cast %get3A_123 : vector<1x16xf32> to vector<16xf32>
        %add3A_125 = arith.addf %add3A_111, %get3A_124 : vector<16xf32>
        %mul3A_126 = arith.constant 8 : i32
        %mul3A_127 = arith.muli %scan3A_82, %mul3A_126 : i32
        %add3A_128 = arith.constant 3 : i32
        %add3A_129 = arith.addi %mul3A_127, %add3A_128 : i32
        %get3A_130 = arith.index_cast %add3A_129 : i32 to index
        %get3A_131 = arith.constant 0 : index
        %get3A_132 = tpu.vector_load %arg11[%get3A_130, %get3A_131] {strides = array<i32>} : memref<112x32xf32, #tpu.memory_space<vmem>>, vector<1x16xf32>,
        %get3A_133 = vector.shape_cast %get3A_132 : vector<1x16xf32> to vector<16xf32>
        %add3A_134 = arith.addf %add3A_120, %get3A_133 : vector<16xf32>
        %get3A_135 = arith.index_cast %add3A_129 : i32 to index
        %get3A_136 = arith.constant 16 : index
        %get3A_137 = tpu.vector_load %arg11[%get3A_135, %get3A_136] {strides = array<i32>} : memref<112x32xf32, #tpu.memory_space<vmem>>, vector<1x16xf32>,
        %get3A_138 = vector.shape_cast %get3A_137 : vector<1x16xf32> to vector<16xf32>
        %add3A_139 = arith.addf %add3A_125, %get3A_138 : vector<16xf32>
        %mul3A_140 = arith.constant 8 : i32
        %mul3A_141 = arith.muli %scan3A_82, %mul3A_140 : i32
        %add3A_142 = arith.constant 4 : i32
        %add3A_143 = arith.addi %mul3A_141, %add3A_142 : i32
        %get3A_144 = arith.index_cast %add3A_143 : i32 to index
        %get3A_145 = arith.constant 0 : index
        %get3A_146 = tpu.vector_load %arg11[%get3A_144, %get3A_145] {strides = array<i32>} : memref<112x32xf32, #tpu.memory_space<vmem>>, vector<1x16xf32>,
        %get3A_147 = vector.shape_cast %get3A_146 : vector<1x16xf32> to vector<16xf32>
        %add3A_148 = arith.addf %add3A_134, %get3A_147 : vector<16xf32>
        %get3A_149 = arith.index_cast %add3A_143 : i32 to index
        %get3A_150 = arith.constant 16 : index
        %get3A_151 = tpu.vector_load %arg11[%get3A_149, %get3A_150] {strides = array<i32>} : memref<112x32xf32, #tpu.memory_space<vmem>>, vector<1x16xf32>,
        %get3A_152 = vector.shape_cast %get3A_151 : vector<1x16xf32> to vector<16xf32>
        %add3A_153 = arith.addf %add3A_139, %get3A_152 : vector<16xf32>
        %mul3A_154 = arith.constant 8 : i32
        %mul3A_155 = arith.muli %scan3A_82, %mul3A_154 : i32
        %add3A_156 = arith.constant 5 : i32
        %add3A_157 = arith.addi %mul3A_155, %add3A_156 : i32
        %get3A_158 = arith.index_cast %add3A_157 : i32 to index
        %get3A_159 = arith.constant 0 : index
        %get3A_160 = tpu.vector_load %arg11[%get3A_158, %get3A_159] {strides = array<i32>} : memref<112x32xf32, #tpu.memory_space<vmem>>, vector<1x16xf32>,
        %get3A_161 = vector.shape_cast %get3A_160 : vector<1x16xf32> to vector<16xf32>
        %add3A_162 = arith.addf %add3A_148, %get3A_161 : vector<16xf32>
        %get3A_163 = arith.index_cast %add3A_157 : i32 to index
        %get3A_164 = arith.constant 16 : index
        %get3A_165 = tpu.vector_load %arg11[%get3A_163, %get3A_164] {strides = array<i32>} : memref<112x32xf32, #tpu.memory_space<vmem>>, vector<1x16xf32>,
        %get3A_166 = vector.shape_cast %get3A_165 : vector<1x16xf32> to vector<16xf32>
        %add3A_167 = arith.addf %add3A_153, %get3A_166 : vector<16xf32>
        %mul3A_168 = arith.constant 8 : i32
        %mul3A_169 = arith.muli %scan3A_82, %mul3A_168 : i32
        %add3A_170 = arith.constant 6 : i32
        %add3A_171 = arith.addi %mul3A_169, %add3A_170 : i32
        %get3A_172 = arith.index_cast %add3A_171 : i32 to index
        %get3A_173 = arith.constant 0 : index
        %get3A_174 = tpu.vector_load %arg11[%get3A_172, %get3A_173] {strides = array<i32>} : memref<112x32xf32, #tpu.memory_space<vmem>>, vector<1x16xf32>,
        %get3A_175 = vector.shape_cast %get3A_174 : vector<1x16xf32> to vector<16xf32>
        %add3A_176 = arith.addf %add3A_162, %get3A_175 : vector<16xf32>
        %get3A_177 = arith.index_cast %add3A_171 : i32 to index
        %get3A_178 = arith.constant 16 : index
        %get3A_179 = tpu.vector_load %arg11[%get3A_177, %get3A_178] {strides = array<i32>} : memref<112x32xf32, #tpu.memory_space<vmem>>, vector<1x16xf32>,
        %get3A_180 = vector.shape_cast %get3A_179 : vector<1x16xf32> to vector<16xf32>
        %add3A_181 = arith.addf %add3A_167, %get3A_180 : vector<16xf32>
        %mul3A_182 = arith.constant 8 : i32
        %mul3A_183 = arith.muli %scan3A_82, %mul3A_182 : i32
        %add3A_184 = arith.constant 7 : i32
        %add3A_185 = arith.addi %mul3A_183, %add3A_184 : i32
        %get3A_186 = arith.index_cast %add3A_185 : i32 to index
        %get3A_187 = arith.constant 0 : index
        %get3A_188 = tpu.vector_load %arg11[%get3A_186, %get3A_187] {strides = array<i32>} : memref<112x32xf32, #tpu.memory_space<vmem>>, vector<1x16xf32>,
        %get3A_189 = vector.shape_cast %get3A_188 : vector<1x16xf32> to vector<16xf32>
        %add3A_190 = arith.addf %add3A_176, %get3A_189 : vector<16xf32>
        %get3A_191 = arith.index_cast %add3A_185 : i32 to index
        %get3A_192 = arith.constant 16 : index
        %get3A_193 = tpu.vector_load %arg11[%get3A_191, %get3A_192] {strides = array<i32>} : memref<112x32xf32, #tpu.memory_space<vmem>>, vector<1x16xf32>,
        %get3A_194 = vector.shape_cast %get3A_193 : vector<1x16xf32> to vector<16xf32>
        %add3A_195 = arith.addf %add3A_181, %get3A_194 : vector<16xf32>
        scf.yield %add3A_190, %add3A_195 : vector<16xf32>, vector<16xf32>
      }
      %scan3A_81 = arith.constant 14 : i32
      scf.yield %scan3A_80#0, %scan3A_80#1 : vector<16xf32>, vector<16xf32>
    }
    %scan3A_26 = arith.constant 28 : i32
    %swap3A = arith.constant 0 : index
    %swap3A_27 = tpu.vector_load %arg12[%swap3A] {strides = array<i32>} : memref<32xf32, #tpu.memory_space<vmem>>, vector<16xf32>,
    %swap3A_28 = vector.shape_cast %swap3A_27 : vector<16xf32> to vector<16xf32>
    %swap3A_29 = vector.shape_cast %scan3A_25#0 : vector<16xf32> to vector<16xf32>
    tpu.vector_store %arg12[%swap3A], %swap3A_29 {strides = array<i32>} : memref<32xf32, #tpu.memory_space<vmem>>, vector<16xf32>,
    %swap3A_30 = arith.constant 16 : index
    %swap3A_31 = tpu.vector_load %arg12[%swap3A_30] {strides = array<i32>} : memref<32xf32, #tpu.memory_space<vmem>>, vector<16xf32>,
    %swap3A_32 = vector.shape_cast %swap3A_31 : vector<16xf32> to vector<16xf32>
    %swap3A_33 = vector.shape_cast %scan3A_25#1 : vector<16xf32> to vector<16xf32>
    tpu.vector_store %arg12[%swap3A_30], %swap3A_33 {strides = array<i32>} : memref<32xf32, #tpu.memory_space<vmem>>, vector<16xf32>,
    "tpu.region"() ({
      %run_scoped3A = tpu.sem_alloc : memref<!tpu.dma_semaphore, #tpu.memory_space<semaphore_mem>>
      %dma_start3A_34 = arith.constant 0 : i32
      %dma_start3A_35 = tpu.memref_slice %arg6[%add3A, %dma_start3A_34] : memref<32x32xf32, #tpu.memory_space<hbm>> -> memref<1x32xf32, #tpu.memory_space<hbm>>
      %dma_start3A_36 = tpu.memref_squeeze %dma_start3A_35 : memref<1x32xf32, #tpu.memory_space<hbm>> -> memref<32xf32, #tpu.memory_space<hbm>>
      %dma_start3A_37 = arith.constant 0 : i32
      %dma_start3A_38 = tpu.memref_slice %arg6[%add3A, %dma_start3A_37] : memref<32x32xf32, #tpu.memory_space<hbm>> -> memref<1x32xf32, #tpu.memory_space<hbm>>
      %dma_start3A_39 = tpu.memref_squeeze %dma_start3A_38 : memref<1x32xf32, #tpu.memory_space<hbm>> -> memref<32xf32, #tpu.memory_space<hbm>>
      tpu.enqueue_dma source(%arg12 : memref<32xf32, #tpu.memory_space<vmem>>) target(%dma_start3A_39 : memref<32xf32, #tpu.memory_space<hbm>>) target_semaphore(%run_scoped3A : memref<!tpu.dma_semaphore, #tpu.memory_space<semaphore_mem>>)
      %dma_wait3A_40 = arith.constant 0 : i32
      %dma_wait3A_41 = tpu.memref_slice %arg6[%add3A, %dma_wait3A_40] : memref<32x32xf32, #tpu.memory_space<hbm>> -> memref<1x32xf32, #tpu.memory_space<hbm>>
      %dma_wait3A_42 = tpu.memref_squeeze %dma_wait3A_41 : memref<1x32xf32, #tpu.memory_space<hbm>> -> memref<32xf32, #tpu.memory_space<hbm>>
      %dma_wait3A_43 = arith.constant 0 : i32
      %dma_wait3A_44 = tpu.memref_slice %arg6[%add3A, %dma_wait3A_43] : memref<32x32xf32, #tpu.memory_space<hbm>> -> memref<1x32xf32, #tpu.memory_space<hbm>>
      %dma_wait3A_45 = tpu.memref_squeeze %dma_wait3A_44 : memref<1x32xf32, #tpu.memory_space<hbm>> -> memref<32xf32, #tpu.memory_space<hbm>>
      tpu.wait_dma2 semaphore(%run_scoped3A : memref<!tpu.dma_semaphore, #tpu.memory_space<semaphore_mem>>) src(%arg12 : memref<32xf32, #tpu.memory_space<vmem>>) dst(%dma_wait3A_45 : memref<32xf32, #tpu.memory_space<hbm>>)
      tpu.yield
    }) : () -> ()
    return
  }
}

module attributes {stable_mosaic.version = 14 : i64} {
  func.func @body(%arg0: memref<4096x32xf32, #tpu.memory_space<vmem>>, %arg1: memref<32x32xf32, #tpu.memory_space<vmem>>, %arg2: memref<100x32xf32, #tpu.memory_space<vmem>>, %arg3: memref<1x100xf32, #tpu.memory_space<vmem>>, %arg4: memref<4096x100xf32, #tpu.memory_space<vmem>>) attributes {dimension_semantics = [], scalar_prefetch = 0 : i64, scratch_operands = 0 : i64, tpu.core_type = #tpu.core_type<tc>} {
    %get3A = arith.constant 0 : index
    %get3A_0 = arith.constant 0 : index
    %get3A_1 = vector.load %arg0[%get3A, %get3A_0] : memref<4096x32xf32, #tpu.memory_space<vmem>>, vector<4096x32xf32>
    %get3A_2 = arith.constant 0 : index
    %get3A_3 = arith.constant 0 : index
    %get3A_4 = vector.load %arg1[%get3A_2, %get3A_3] : memref<32x32xf32, #tpu.memory_space<vmem>>, vector<32x32xf32>
    %reduce_sum3A = arith.constant dense<0.000000e+00> : vector<32xf32>
    %reduce_sum3A_5 = vector.multi_reduction <add>, %get3A_4, %reduce_sum3A [0] : vector<32x32xf32> to vector<32xf32>
    %slice3A = vector.extract_strided_slice %get3A_1 {offsets = [4095, 0], sizes = [1, 32], strides = [1, 1]} : vector<4096x32xf32> to vector<1x32xf32>
    %squeeze3A = vector.shape_cast %slice3A : vector<1x32xf32> to vector<32xf32>
    %add3A = arith.addf %reduce_sum3A_5, %squeeze3A : vector<32xf32>
    %mul3A = arith.constant 4.98243708E-6 : f32
    %mul3A_6 = vector.broadcast %mul3A : f32 to vector<32xf32>
    %mul3A_7 = arith.mulf %add3A, %mul3A_6 : vector<32xf32>
    %iota3A = tpu.iota {dimensions = array<i32: 0>} : vector<4096x1xi32>
    %eq3A = arith.constant 4095 : i32
    %eq3A_8 = vector.broadcast %eq3A : i32 to vector<4096x1xi32>
    %eq3A_9 = arith.cmpi eq, %iota3A, %eq3A_8 : vector<4096x1xi32>
    %broadcast_in_dim3A = vector.shape_cast %mul3A_7 : vector<32xf32> to vector<1x32xf32>
    %broadcast_in_dim3A_10 = vector.shape_cast %eq3A_9 : vector<4096x1xi1> to vector<4096x1xi1>
    %broadcast_in_dim3A_11 = vector.broadcast %broadcast_in_dim3A_10 : vector<4096x1xi1> to vector<4096x32xi1>
    %broadcast_in_dim3A_12 = vector.shape_cast %broadcast_in_dim3A : vector<1x32xf32> to vector<1x32xf32>
    %broadcast_in_dim3A_13 = vector.broadcast %broadcast_in_dim3A_12 : vector<1x32xf32> to vector<4096x32xf32>
    %select_n3A = arith.select %broadcast_in_dim3A_11, %broadcast_in_dim3A_13, %get3A_1 : vector<4096x32xi1>, vector<4096x32xf32>
    %get3A_14 = arith.constant 0 : index
    %get3A_15 = arith.constant 0 : index
    %get3A_16 = vector.load %arg2[%get3A_14, %get3A_15] : memref<100x32xf32, #tpu.memory_space<vmem>>, vector<100x32xf32>
    %transpose3A = tpu.transpose %get3A_16, [1, 0] : vector<100x32xf32> -> vector<32x100xf32>
    %dot_general3A = arith.constant dense<0.000000e+00> : vector<4096x100xf32>
    %dot_general3A_17 = tpu.matmul %select_n3A, %transpose3A, %dot_general3A {dimension_numbers = #tpu.dot_dimension_numbers<[1], [0], [0], [1], [0, 0, 1, 1], [], []>, transpose_lhs_hint = false} : vector<4096x32xf32>, vector<32x100xf32>, vector<4096x100xf32> -> vector<4096x100xf32>
    %get3A_18 = arith.constant 0 : index
    %get3A_19 = arith.constant 0 : index
    %get3A_20 = vector.load %arg3[%get3A_18, %get3A_19] : memref<1x100xf32, #tpu.memory_space<vmem>>, vector<1x100xf32>
    %add3A_21 = vector.broadcast %get3A_20 : vector<1x100xf32> to vector<4096x100xf32>
    %add3A_22 = arith.addf %dot_general3A_17, %add3A_21 : vector<4096x100xf32>
    %swap3A = arith.constant 0 : index
    %swap3A_23 = arith.constant 0 : index
    %swap3A_24 = vector.load %arg4[%swap3A, %swap3A_23] : memref<4096x100xf32, #tpu.memory_space<vmem>>, vector<4096x100xf32>
    tpu.vector_store %arg4[%swap3A, %swap3A_23], %add3A_22 {strides = array<i32>} : memref<4096x100xf32, #tpu.memory_space<vmem>>, vector<4096x100xf32>,
    return
  }
}

</mosaic_0001>

<sc_bundles>
// kernel: kernel.4.cloned.1.call-start
scs
__scs_entry_jumppad:
0x0: {  	(pc) =	sbr.rel $0x88, $3  }
0x1: {  	(tag) =	ssettag $0x0;
	lr =	simm.s32 $0x1  }
0x2: {  	[smem:$0x3F9D] =	sst lr;
	_ =	strace $0xD0000000  }
0x3: {  	_ = 	snop  }
0x4: {  	_ = 	snop  }
0x5: {  	_ = 	snop  }
0x6: {  	_ = 	snop  }
0x7: {  	_ = 	snop  }
__scs_overlays_trampoline_lowered:
0x8: {  	[smem:$0x3FAC] =	sst s0  }
0x9: {  	[smem:$0x3FAD] =	sst s1  }
0xa: {  	[smem:$0x3FAE] =	sst s2  }
0xb: {  	[smem:$0x3FAF] =	sst s3  }
0xc: {  	[smem:$0x3FB0] =	sst s4  }
0xd: {  	[smem:$0x3FB1] =	sst s5  }
0xe: {  	[smem:$0x3FB2] =	sst s6  }
0xf: {  	[smem:$0x3FB3] =	sst s7  }
0x10: {  	[smem:$0x3FB4] =	sst s8  }
0x11: {  	[smem:$0x3FB5] =	sst s9;
	s0 =	simm.s32 @!p0 $0x0  }
0x12: {  	s1 =	sld [smem:$0x3F9B];
	s0 =	simm.s32 @p0 $0x1  }
0x13: {  	[smem:$0x3FB6] =	sst s0;
	s0 =	simm.s32 @!p1 $0x0  }
0x14: {  	s2 =	sld [smem:$0x3F9A];
	s0 =	simm.s32 @p1 $0x1  }
0x15: {  	[smem:$0x3FB7] =	sst s0;
	s0 =	simm.s32 @!p2 $0x0  }
0x16: {  	s3 =	sld [smem:$0x3FDB];
	s0 =	simm.s32 @p2 $0x1  }
0x17: {  	s4 =	simm.s32 $0x1BF5;
	[smem:$0x3FB9] =	sst s0  }
0x18: {  	s0 =	sld [smem:$0x3F9C];
	_ =	swait.ge [sflag:s4], $0x0  }
0x19: {  	s7 =	sld [smem:$0x3F9D]  }
0x1a: {  	s8 =	sadd.s32 $0xFFFFE003, lr  }
0x1b: {  	s9 =	sadd.s32 $0xFFFFFEF7, lr;
	s5 =	simm.s32 $0xFFFFFFFF;
	p2 =	slt.u32 s8, $0xFFFFF086  }
0x1c: {  	p1 =	slt.u32 s9, $0xF7A;
	s5 =	simm.s32 @!p2 $0x0  }
0x1d: {  	s5 =	simm.s32 @p1 $0x1;
	p0 =	seq.s32 s7, s2  }
0x1e: {  	s7 =	smul.u32 @!p0 $0xF7A, s2;
	p2 =	seq.s32 @!p0 s5, $0x0  }
0x1f: {  	s9 =	smul.u32 $0xF7A, s1;
	s8 =	simm.s32 @!p0 $0x1BF5;
	p2 =	por !p2, p0  }
0x20: {  	[sflag:s8] =	ssyncset.s32 @!p0 $0xFFFFF086;
	s6 =	sadd.s32 @!p0 s3, s7;
	s7 =	simm.s32 @!p0 $0x108  }
0x21: {  	s3 =	sadd.s32 s3, s9;
	s6 =	sadd.s32 @!p0 $0x88, s6;
	s7 =	simm.s32 @p2 $0x1082  }
0x22: {  	[simem:s7], [sflag:s8] =	dma.local @!p0 [hbm:s6], $0xF7A  }
0x23: {  	s9 =	sor.u32 $0xD0000000, s2;
	s6 =	simm.s32 $0x108;
	_ =	swait.ge @!p0 [sflag:s8], $0x0  }
0x24: {  	s3 =	sadd.s32 $0x88, s3;
	s6 =	simm.s32 @!p1 $0x1082;
	[sflag:s4] =	ssyncset.s32 $0xFFFFF086  }
0x25: {  	[simem:s6], [sflag:s4] =	dma.local [hbm:s3], $0xF7A  }
0x26: {  	[smem:$0x3F9D] =	sst s1;
	(tag) =	ssettag s2;
	_ =	strace s9  }
0x27: {  	s1 =	sld [smem:$0x3FAD]  }
0x28: {  	s2 =	sld [smem:$0x3FAE]  }
0x29: {  	s4 =	sld [smem:$0x3FB0]  }
0x2a: {  	p0 =	seq.s32 s5, $0x0;
	s5 =	sld [smem:$0x3FB1]  }
0x2b: {  	s6 =	sld [smem:$0x3FB2]  }
0x2c: {  	s7 =	sld [smem:$0x3FB3]  }
0x2d: {  	s3 =	simm.s32 $0x108;
	s8 =	sld [smem:$0x3FB4]  }
0x2e: {  	s3 =	simm.s32 @!p0 $0x1082;
	s9 =	sld [smem:$0x3FB5]  }
0x2f: {  	lr =	sadd.s32 s0, s3;
	s0 =	sld [smem:$0x3FAC]  }
0x30: {  	s3 =	sld [smem:$0x3FAF]  }
0x31: {  	[smem:$0x3FB8] =	sst s10  }
0x32: {  	s10 =	sld [smem:$0x3FB6];
	_ =	sdelay $0x3  }
0x33: {  	p0 =	seq.s32 s10, $0x1;
	s10 =	sld [smem:$0x3FB8];
	_ =	sdelay $0x3  }
0x34: {  	[smem:$0x3FB8] =	sst s10  }
0x35: {  	s10 =	sld [smem:$0x3FB7];
	_ =	sdelay $0x3  }
0x36: {  	p1 =	seq.s32 s10, $0x1;
	s10 =	sld [smem:$0x3FB8];
	_ =	sdelay $0x3  }
0x37: {  	[smem:$0x3FB8] =	sst s10  }
0x38: {  	s10 =	sld [smem:$0x3FB9]  }
0x39: {  	_ = 	snop;
	(pc) =	sbr.ind lr, $3  }
0x3a: {  	_ = 	snop  }
0x3b: {  	_ = 	snop  }
0x3c: {  	p2 =	seq.s32 s10, $0x1;
	s10 =	sld [smem:$0x3FB8]  }
0x3d: {  	_ =	shalt  }
0x3e: {  	_ =	shalt  }
0x3f: {  	_ =	shalt  }
0x40: {  	_ =	shalt  }
0x41: {  	_ =	shalt  }
0x42: {  	_ =	shalt  }
0x43: {  	_ =	shalt  }
0x44: {  	_ =	shalt  }
0x45: {  	_ =	shalt  }
0x46: {  	_ =	shalt  }
0x47: {  	_ =	shalt  }
0x48: {  	_ =	shalt  }
0x49: {  	_ =	shalt  }
0x4a: {  	_ =	shalt  }
0x4b: {  	_ =	shalt  }
0x4c: {  	_ =	shalt  }
0x4d: {  	_ =	shalt  }
0x4e: {  	_ =	shalt  }
0x4f: {  	_ =	shalt  }
0x50: {  	_ =	shalt  }
0x51: {  	_ =	shalt  }
0x52: {  	_ =	shalt  }
0x53: {  	_ =	shalt  }
0x54: {  	_ =	shalt  }
0x55: {  	_ =	shalt  }
0x56: {  	_ =	shalt  }
0x57: {  	_ =	shalt  }
0x58: {  	_ =	shalt  }
0x59: {  	_ =	shalt  }
0x5a: {  	_ =	shalt  }
0x5b: {  	_ =	shalt  }
0x5c: {  	_ =	shalt  }
0x5d: {  	_ =	shalt  }
0x5e: {  	_ =	shalt  }
0x5f: {  	_ =	shalt  }
0x60: {  	_ =	shalt  }
0x61: {  	_ =	shalt  }
0x62: {  	_ =	shalt  }
0x63: {  	_ =	shalt  }
0x64: {  	_ =	shalt  }
0x65: {  	_ =	shalt  }
0x66: {  	_ =	shalt  }
0x67: {  	_ =	shalt  }
0x68: {  	_ =	shalt  }
0x69: {  	_ =	shalt  }
0x6a: {  	_ =	shalt  }
0x6b: {  	_ =	shalt  }
0x6c: {  	_ =	shalt  }
0x6d: {  	_ =	shalt  }
0x6e: {  	_ =	shalt  }
0x6f: {  	_ =	shalt  }
0x70: {  	_ =	shalt  }
0x71: {  	_ =	shalt  }
0x72: {  	_ =	shalt  }
0x73: {  	_ =	shalt  }
0x74: {  	_ =	shalt  }
0x75: {  	_ =	shalt  }
0x76: {  	_ =	shalt  }
0x77: {  	_ =	shalt  }
0x78: {  	_ =	shalt  }
0x79: {  	_ =	shalt  }
0x7a: {  	_ =	shalt  }
0x7b: {  	_ =	shalt  }
0x7c: {  	_ =	shalt  }
0x7d: {  	_ =	shalt  }
0x7e: {  	_ =	shalt  }
0x7f: {  	_ =	shalt  }
0x80: {  	_ =	shalt  }
0x81: {  	_ =	shalt  }
0x82: {  	_ =	shalt  }
0x83: {  	_ =	shalt  }
0x84: {  	_ =	shalt  }
0x85: {  	_ =	shalt  }
0x86: {  	_ =	shalt  }
0x87: {  	_ =	shalt  }
.Lfunc_end0:
.L_simem_size_0:
called_computation_lowered:
.L_overlay_start_0:
0x88: {  	s2 =	sld [smem:$0x3FD9]  }
0x89: {  	s3 =	sld [smem:$0x3FFE];
	_ =	sdelay $0x1  }
0x8a: {  	s1 =	srdreg.scid  }
0x8b: {  	s0 =	sand.u32 $0x1, s1  }
0x8c: {  	s17 =	sshll.u32 s0, $0xA;
	s2 =	sadd.s32 s3, s2  }
0x8d: {  	s2 =	sadd.s32 s2, s17  }
0x8e: {  	[smem:$0x3FC4] =	sst s2  }
0x8f: {  	_ = 	snop  }
0x90: {  	s2 =	sld [smem:$0x3FD0];
	(tm) =	ssettm $0x1  }
0x91: {  	s18 =	sld [smem:$0x3FFB];
	_ =	sdelay $0x3  }
0x92: {  	_ =	strace s18  }
0x93: {  	s3 =	sld [smem:$0x3FFC];
	_ =	sdelay $0x3  }
0x94: {  	_ =	strace s3  }
0x95: {  	s3 =	sld [smem:$0x3FFD];
	_ =	sdelay $0x3  }
0x96: {  	_ =	strace s3  }
0x97: {  	_ =	strace $0x8FFFFFFF  }
0x98: {  	s19 =	sld [smem:$0x3FDB];
	_ =	sdelay $0x1  }
0x99: {  	s4 =	simm.s32 $_scs_section_size  }
0x9a: {  	s5 =	simm.s32 $_size__tile_overlayer_lowered;
	s6 =	simm.s32 $_tile_overlayer_lowered  }
0x9b: {  	s22 =	simm.s32 $0x1BFF;
	s21 =	sshll.u32 s6, $0x1;
	s3 =	sadd.s32 s4, s19  }
0x9c: {  	s7 =	simm.s32 $0x0;
	s20 =	sshll.u32 s5, $0x1;
	s5 =	sadd.s32 s21, s3  }
0x9d: {  	[timem:s7], [sflag:s22] =	dma.local [hbm:s5], s20  }
0x9e: {  	_ =	swait.ge [sflag:s22], s20  }
0x9f: {  	s4 =	ssub.s32 $0x0, s20;
	[sflag:s22] =	ssyncset.done $0x0  }
0xa0: {  	[sflag:s22] =	ssyncadd.s32 s4;
	_ =	sdelay $0x1  }
0xa1: {  	s23 =	simm.s32 $0x1B8B  }
0xa2: {  	_ =	swait.ge [sflag:s23], $0x1  }
0xa3: {  	[sflag:s23] =	ssyncset.done $0x0  }
0xa4: {  	s25 =	simm.s32 $0x1B8E;
	s24 =	sld [smem:$0x3FFE];
	[sflag:s23] =	ssyncadd.s32 $0xFFFFFFFF  }
0xa5: {  	s26 =	simm.s32 $execute0_lowered;
	[smem:$0x3FD2] =	sst s25  }
0xa6: {  	s5 =	sshll.u32 s26, $0x1;
	_ =	strace $0x80000046;
	[dreg:$0x1] =	wrdreg $0xFFFFFFFF  }
0xa7: {  	s28 =	simm.s32 $_size_execute0_lowered;
	s3 =	sadd.s32 s3, s5;
	[dreg:$0x0] =	wrdreg $0x0  }
0xa8: {  	s5 =	sshll.u32 s28, $0x1;
	[dreg:$0x2] =	wrdreg s3  }
0xa9: {  	[dreg:$0x3] =	wrdreg s5  }
0xaa: {  	[dreg:$0x4] =	wrdreg $0xC0  }
0xab: {  	_ =	task [dreg:s7], $0x5FFFF  }
0xac: {  	[dreg:$0x1] =	wrdreg $0xFFFFFFFF  }
0xad: {  	[dreg:$0x0] =	wrdreg $0x60  }
0xae: {  	[dreg:$0x2] =	wrdreg s24  }
0xaf: {  	[dreg:$0x3] =	wrdreg s2  }
0xb0: {  	[dreg:$0x4] =	wrdreg $0x9  }
0xb1: {  	_ =	task.clear_ibuf [dreg:s7], $0x5FFFF;
	_ =	strace $0x90000046  }
0xb2: {  	s29 =	simm.s32 $0x9;
	_ =	strace $0x80000048  }
0xb3: {  	_ =	swait.ge [sflag:s29], $0x1  }
0xb4: {  	[sflag:s29] =	ssyncadd.s32 $0xFFFFFFFF  }
0xb5: {  	_ =	strace $0x90000048  }
0xb6: {  	_ =	sfence  }
0xb7: {  	s30 =	sld [smem:$0x0];
	_ =	sdelay $0x2  }
0xb8: {  	s31 =	sshll.u32 s1, $0xD;
	s1 =	sshrl.u32 s1, $0x2  }
0xb9: {  	s3 =	sand.u32 $0x4000, s31;
	s1 =	sadd.s32 s1, s30  }
0xba: {  	s0 =	sor.u32 s3, s0;
	s1 =	sshll.u32 s1, $0x11  }
0xbb: {  	s0 =	sor.u32 s1, s0  }
0xbc: {  	s0 =	sadd.s32 $0x8F2B, s0  }
0xbd: {  	[sflag:s0] =	ssyncadd.remote.s32 $0x1  }
0xbe: {  	_ =	sfence.sel $0xFFFF  }
0xbf: {  	[dreg:$0x0] =	wrdreg $0xFFFFFFFF;
	(pc) =	sbr.abs _section_cstart, $3  }
0xc0: {  	[dreg:$0x1] =	wrdreg $0xFFFFFFFF  }
0xc1: {  	_ =	task.clear_ibuf [dreg:s7], $0x2FFFF;
	_ =	strace $0x9FFFFFFF  }
0xc2: {  	(tm) =	ssettm $0x7FFFFFFF  }
0xc3: {  	_ =	shalt  }
tec
execute0_lowered:
.L_overlay_start_1:
0x0: {  	(tag) =	ssettag $0x1  }
0x1: {  	s4 =	rddreg [dreg:$0x0]  }
0x2: {  	s5 =	rddreg [dreg:$0x1]  }
0x3: {  	s0 =	rddreg [dreg:$0x2]  }
0x4: {  	s3 =	srdreg.scid;
	s1 =	stileid.u32;
	s2 =	simm.s32 $0x0  }
0x5: {  	s12 =	simm.s32 $0x70;
	s13 =	simm.s32 $0x2900;
	s14 =	simm.s32 $0x10F0  }
0x6: {  	s15 =	simm.s32 $0x3700;
	s16 =	simm.s32 $0x1;
	s17 =	simm.s32 $0x2  }
0x7: {  	s18 =	simm.s32 $0x3;
	s19 =	simm.s32 $0x4500;
	s20 =	simm.s32 $0x0  }
0x8: {  	s6 =	sand.u32 $0x1, s3;
	s30 =	sshll.u32 s1, $0x1;
	[smem:$0x7FF] =	sst s2  }
0x9: {  	s7 =	sor.u32 s6, s30;
	_ =	strace $0x80000047;
	s6 =	ssub.s32 $0x2, s6  }
0xa: {  	s3 =	sshll.u32 s7, $0x4;
	s9 =	sshll.u32 s7, $0x9;
	s10 =	sshll.u32 s7, $0x2  }
0xb: {  	s7 =	smul.u32 $0x310, s7;
	s31 =	sshrl.u32 s6, $0x1;
	s8 =	sadd.s32 s3, s4  }
0xc: {  	s3 =	sadd.s32 $0xF43200, s4;
	s9 =	sadd.s32 s9, s4;
	s10 =	sadd.s32 s10, s4  }
0xd: {  	s11 =	ssub.s32 s6, s31;
	s4 =	sadd.s32 $0xC00, s8;
	s5 =	sadd.s32 s5, s7  }
0xe: {  	s6 =	sadd.s32 $0xE00, s9;
	s7 =	sadd.s32 $0x4E00, s10;
	s8 =	smax.u32 s11, $0x1  }
0xf: {  	s9 =	simm.s32 $0x4;
	s10 =	simm.s32 $0x1080;
	s11 =	simm.s32 $0x80  }
.LBB2_1:
0x10: {  	[tilespmem:s2], [sflag:$0x4] =	stream.linear.gather [hbm4b:s4+s2], $0x80, $0x38;
	[tilespmem:$0x4520] =	vst v63  }
0x11: {  	_ =	swait.ge [sflag:s9], $0x80  }
0x12: {  	[sflag:s9] =	ssyncset.done $0x0  }
0x13: {  	[sflag:s9] =	ssyncadd.s32 $0xFFFFFF80  }
0x14: {  	[tilespmem:s10], [sflag:$0x4] =	stream.linear.gather [hbm4b:s5+s2], $0x1880, $0x38;
	[tilespmem:$0x4520] =	vst v63  }
0x15: {  	_ =	swait.ge [sflag:s9], $0x1880  }
0x16: {  	[sflag:s9] =	ssyncset.done $0x0  }
0x17: {  	[sflag:s9] =	ssyncadd.s32 $0xFFFFE780  }
0x18: {  	[tilespmem:s11], [sflag:$0x1] =	stream.indirect.gather [hbm4b:s3+s11], $0x20, s2, s11, $0xb8;
	[tilespmem:$0x4520] =	vst v63  }
0x19: {  	_ = 	snop  }
0x1a: {  	[tilespmem:s13], [sflag:$0x2] =	stream.indirect.gather [hbm4b:s3+s12], $0x20, s10, s12, $0xb8;
	[tilespmem:$0x4520] =	vst v63  }
0x1b: {  	_ = 	snop  }
0x1c: {  	[tilespmem:s15], [sflag:$0x3] =	stream.indirect.gather [hbm4b:s3+s12], $0x20, s14, s12, $0xb8;
	[tilespmem:$0x4520] =	vst v63  }
0x1d: {  	_ =	swait.ge [sflag:s16], $0x1000  }
0x1e: {  	[sflag:s16] =	ssyncset.done $0x0  }
0x1f: {  	[sflag:s16] =	ssyncadd.s32 $0xFFFFF000  }
0x20: {  	[hbm4b:s6+s2] =	stream.linear.scatter [tilespmem:s11], [sflag:$0x4], $0x1000, $0x38;
	[tilespmem:$0x4520] =	vst v63  }
0x21: {  	_ =	swait.ge [sflag:s9], $0x1000  }
0x22: {  	[sflag:s9] =	ssyncset.done $0x0  }
0x23: {  	v0 =	vimm.f32 $0.0e+00;
	v1 =	vimm.f32 $0.0e+00;
	s21 =	simm.s32 $0x0;
	[sflag:s9] =	ssyncadd.s32 $0xFFFFF000  }
.LBB2_2:
0x24: {  	p0 =	seq.s32 s21, $0x1B  }
0x25: {  	s22 =	smul.u32 @!p0 $0x380, s21  }
0x26: {  	_ =	swait.ge [sflag:s17], $0xE00;
	s31 =	simm.s32 $0x0  }
0x27: {  	[sflag:s17] =	ssyncset.done $0x0;
	s24 =	simm.s32 @!p0 $0x70;
	s22 =	sshra.s32 @!p0 s22, $0x2  }
0x28: {  	s25 =	simm.s32 @!p0 $0x2900;
	[sflag:s17] =	ssyncadd.s32 $0xFFFFF200;
	s23 =	sadd.s32 @!p0 $0x1160, s22  }
0x29: {  	[tilespmem:s25], [sflag:$0x2] =	stream.indirect.gather @!p0 [hbm4b:s3+s24], $0x20, s23, s24, $0xb8;
	[tilespmem:$0x4520] =	vst v63  }
0x2a: {  	v2 =	vld [tilespmem:s31+$0x2900]  }
0x2b: {  	v3 =	vld [tilespmem:s31+$0x2910]  }
0x2c: {  	v4 =	vld [tilespmem:s31+$0x2920]  }
0x2d: {  	v5 =	vld [tilespmem:s31+$0x2930]  }
0x2e: {  	v6 =	vld [tilespmem:s31+$0x2940]  }
0x2f: {  	v7 =	vld [tilespmem:s31+$0x2950]  }
0x30: {  	v1 =	vadd.f32 v2, v1;
	v0 =	vadd.f32 v3, v0;
	v2 =	vld [tilespmem:s31+$0x2960]  }
0x31: {  	v3 =	vld [tilespmem:s31+$0x2970]  }
0x32: {  	v1 =	vadd.f32 v4, v1;
	v0 =	vadd.f32 v5, v0;
	v4 =	vld [tilespmem:s31+$0x2980]  }
0x33: {  	v5 =	vld [tilespmem:s31+$0x2990]  }
0x34: {  	v1 =	vadd.f32 v6, v1;
	v0 =	vadd.f32 v7, v0;
	v6 =	vld [tilespmem:s31+$0x29A0]  }
0x35: {  	v7 =	vld [tilespmem:s31+$0x29B0]  }
0x36: {  	v2 =	vadd.f32 v2, v1;
	v0 =	vadd.f32 v3, v0;
	v1 =	vld [tilespmem:s31+$0x29C0]  }
0x37: {  	v3 =	vld [tilespmem:s31+$0x29D0]  }
0x38: {  	v8 =	vadd.f32 v4, v2;
	v9 =	vadd.f32 v5, v0;
	v2 =	vld [tilespmem:s31+$0x29E0]  }
0x39: {  	s23 =	simm.s32 $0x100;
	v4 =	vld [tilespmem:s31+$0x29F0]  }
0x3a: {  	s24 =	simm.s32 $0x800;
	v0 =	vld [tilespmem:s23+$0x2900];
	v5 =	vadd.f32 v6, v8;
	v6 =	vadd.f32 v7, v9  }
.LBB2_3:
0x3b: {  	p1 =	sne.s32 s24, $0x3400;
	v7 =	vld [tilespmem:s23+$0x2910]  }
0x3c: {  	v8 =	vld [tilespmem:s23+$0x2920];
	v1 =	vadd.f32 v1, v5;
	v3 =	vadd.f32 v3, v6  }
0x3d: {  	v5 =	vld [tilespmem:s23+$0x2930]  }
0x3e: {  	v6 =	vld [tilespmem:s23+$0x2940];
	v1 =	vadd.f32 v2, v1;
	v2 =	vadd.f32 v4, v3  }
0x3f: {  	v3 =	vld [tilespmem:s23+$0x2950]  }
0x40: {  	v0 =	vadd.f32 v0, v1;
	v1 =	vadd.f32 v7, v2;
	v2 =	vld [tilespmem:s23+$0x2960]  }
0x41: {  	v4 =	vld [tilespmem:s23+$0x2970]  }
0x42: {  	v0 =	vadd.f32 v8, v0;
	v1 =	vadd.f32 v5, v1;
	v5 =	vld [tilespmem:s23+$0x2980]  }
0x43: {  	v7 =	vld [tilespmem:s23+$0x2990]  }
0x44: {  	v0 =	vadd.f32 v6, v0;
	v1 =	vadd.f32 v3, v1;
	v6 =	vld [tilespmem:s23+$0x29A0]  }
0x45: {  	v8 =	vld [tilespmem:s23+$0x29B0]  }
.Ltmp0:
0x46: {  	v0 =	vadd.f32 v2, v0;
	v2 =	vadd.f32 v4, v1;
	v1 =	vld [tilespmem:s23+$0x29C0];
	(pc) =	sbr.rel @p1 .LBB2_3-.Ltmp0, $4  }
0x47: {  	v3 =	vld [tilespmem:s23+$0x29D0]  }
0x48: {  	v5 =	vadd.f32 v5, v0;
	v7 =	vadd.f32 v7, v2;
	v2 =	vld [tilespmem:s23+$0x29E0]  }
0x49: {  	v4 =	vld [tilespmem:s23+$0x29F0];
	s23 =	sshra.s32 s24, $0x2  }
0x4a: {  	s24 =	sadd.s32 $0x400, s24;
	v0 =	vld [tilespmem:s23+$0x2900];
	v5 =	vadd.f32 v6, v5;
	v6 =	vadd.f32 v8, v7  }
0x4b: {  	v7 =	vld [tilespmem:s23+$0x2910]  }
0x4c: {  	v8 =	vld [tilespmem:s23+$0x2920]  }
0x4d: {  	v9 =	vld [tilespmem:s23+$0x2930]  }
0x4e: {  	v10 =	vld [tilespmem:s23+$0x2940]  }
0x4f: {  	v11 =	vld [tilespmem:s23+$0x2950];
	v1 =	vadd.f32 v1, v5;
	v3 =	vadd.f32 v3, v6  }
0x50: {  	v12 =	vld [tilespmem:s23+$0x2960]  }
0x51: {  	v13 =	vld [tilespmem:s23+$0x2970];
	v1 =	vadd.f32 v2, v1;
	v2 =	vadd.f32 v4, v3  }
0x52: {  	v62 =	vld [tilespmem:s23+$0x29F0]  }
0x53: {  	v5 =	vld [tilespmem:s23+$0x2980];
	v0 =	vadd.f32 v0, v1;
	v1 =	vadd.f32 v7, v2  }
0x54: {  	v6 =	vld [tilespmem:s23+$0x2990]  }
0x55: {  	v3 =	vld [tilespmem:s23+$0x29A0];
	v0 =	vadd.f32 v8, v0;
	v1 =	vadd.f32 v9, v1  }
0x56: {  	v4 =	vld [tilespmem:s23+$0x29B0]  }
0x57: {  	v2 =	vld [tilespmem:s23+$0x29C0];
	v0 =	vadd.f32 v10, v0;
	v1 =	vadd.f32 v11, v1  }
0x58: {  	v7 =	vld [tilespmem:s23+$0x29D0]  }
0x59: {  	v8 =	vld [tilespmem:s23+$0x29E0];
	_ =	swait.ge [sflag:s18], $0xE00;
	v0 =	vadd.f32 v12, v0;
	v1 =	vadd.f32 v13, v1  }
0x5a: {  	s22 =	sadd.s32 @!p0 $0x11D0, s22;
	s24 =	simm.s32 @!p0 $0x3700;
	[sflag:s18] =	ssyncset.done $0x0  }
0x5b: {  	s31 =	simm.s32 $0x0;
	s23 =	simm.s32 @!p0 $0x70;
	[sflag:s18] =	ssyncadd.s32 $0xFFFFF200;
	v0 =	vadd.f32 v5, v0;
	v1 =	vadd.f32 v6, v1  }
0x5c: {  	[tilespmem:s24], [sflag:$0x3] =	stream.indirect.gather @!p0 [hbm4b:s3+s23], $0x20, s22, s23, $0xb8;
	[tilespmem:$0x4520] =	vst v63  }
0x5d: {  	v0 =	vadd.f32 v3, v0;
	v1 =	vadd.f32 v4, v1;
	v3 =	vld [tilespmem:s31+$0x3700]  }
0x5e: {  	v4 =	vld [tilespmem:s31+$0x3710]  }
0x5f: {  	v5 =	vld [tilespmem:s31+$0x3730];
	v0 =	vadd.f32 v2, v0;
	v1 =	vadd.f32 v7, v1  }
0x60: {  	v2 =	vld [tilespmem:s31+$0x3720]  }
0x61: {  	v6 =	vld [tilespmem:s31+$0x3740];
	v0 =	vadd.f32 v8, v0;
	v1 =	vadd.f32 v62, v1  }
0x62: {  	v7 =	vld [tilespmem:s31+$0x3750]  }
0x63: {  	v0 =	vadd.f32 v3, v0;
	v1 =	vadd.f32 v4, v1;
	v3 =	vld [tilespmem:s31+$0x3760]  }
0x64: {  	v4 =	vld [tilespmem:s31+$0x3770]  }
0x65: {  	v0 =	vadd.f32 v2, v0;
	v1 =	vadd.f32 v5, v1;
	v2 =	vld [tilespmem:s31+$0x3780]  }
0x66: {  	v5 =	vld [tilespmem:s31+$0x3790]  }
0x67: {  	v0 =	vadd.f32 v6, v0;
	v1 =	vadd.f32 v7, v1;
	v6 =	vld [tilespmem:s31+$0x37A0]  }
0x68: {  	v7 =	vld [tilespmem:s31+$0x37B0]  }
0x69: {  	v8 =	vadd.f32 v3, v0;
	v1 =	vadd.f32 v4, v1;
	v0 =	vld [tilespmem:s31+$0x37C0]  }
0x6a: {  	v3 =	vld [tilespmem:s31+$0x37D0]  }
0x6b: {  	v4 =	vld [tilespmem:s31+$0x37F0];
	v8 =	vadd.f32 v2, v8;
	v63 =	vadd.f32 v5, v1  }
0x6c: {  	s22 =	simm.s32 $0x100;
	v1 =	vld [tilespmem:s31+$0x37E0]  }
0x6d: {  	s23 =	simm.s32 $0x800;
	v2 =	vld [tilespmem:s22+$0x3700];
	v5 =	vadd.f32 v6, v8;
	v6 =	vadd.f32 v7, v63  }
.LBB2_5:
0x6e: {  	p0 =	sne.s32 s23, $0x3400;
	v7 =	vld [tilespmem:s22+$0x3710]  }
0x6f: {  	v8 =	vld [tilespmem:s22+$0x3720];
	v0 =	vadd.f32 v0, v5;
	v3 =	vadd.f32 v3, v6  }
0x70: {  	v5 =	vld [tilespmem:s22+$0x3730]  }
0x71: {  	v6 =	vld [tilespmem:s22+$0x3740];
	v0 =	vadd.f32 v1, v0;
	v1 =	vadd.f32 v4, v3  }
0x72: {  	v3 =	vld [tilespmem:s22+$0x3750]  }
0x73: {  	v0 =	vadd.f32 v2, v0;
	v1 =	vadd.f32 v7, v1;
	v2 =	vld [tilespmem:s22+$0x3760]  }
0x74: {  	v4 =	vld [tilespmem:s22+$0x3770]  }
0x75: {  	v0 =	vadd.f32 v8, v0;
	v1 =	vadd.f32 v5, v1;
	v5 =	vld [tilespmem:s22+$0x3780]  }
0x76: {  	v7 =	vld [tilespmem:s22+$0x3790]  }
0x77: {  	v0 =	vadd.f32 v6, v0;
	v1 =	vadd.f32 v3, v1;
	v6 =	vld [tilespmem:s22+$0x37A0]  }
0x78: {  	v8 =	vld [tilespmem:s22+$0x37B0]  }
.Ltmp1:
0x79: {  	v2 =	vadd.f32 v2, v0;
	v1 =	vadd.f32 v4, v1;
	v0 =	vld [tilespmem:s22+$0x37C0];
	(pc) =	sbr.rel @p0 .LBB2_5-.Ltmp1, $4  }
0x7a: {  	v3 =	vld [tilespmem:s22+$0x37D0]  }
0x7b: {  	v5 =	vadd.f32 v5, v2;
	v7 =	vadd.f32 v7, v1;
	v1 =	vld [tilespmem:s22+$0x37E0]  }
0x7c: {  	v4 =	vld [tilespmem:s22+$0x37F0];
	s22 =	sshra.s32 s23, $0x2  }
0x7d: {  	s23 =	sadd.s32 $0x400, s23;
	v2 =	vld [tilespmem:s22+$0x3700];
	v5 =	vadd.f32 v6, v5;
	v6 =	vadd.f32 v8, v7  }
0x7e: {  	v7 =	vld [tilespmem:s22+$0x3710]  }
0x7f: {  	v8 =	vld [tilespmem:s22+$0x3720];
	v0 =	vadd.f32 v0, v5;
	v3 =	vadd.f32 v3, v6  }
0x80: {  	v55 =	vld [tilespmem:s22+$0x3730]  }
0x81: {  	v56 =	vld [tilespmem:s22+$0x3740];
	v0 =	vadd.f32 v1, v0;
	v1 =	vadd.f32 v4, v3  }
0x82: {  	v3 =	vld [tilespmem:s22+$0x3750]  }
0x83: {  	v57 =	vld [tilespmem:s22+$0x3770];
	v0 =	vadd.f32 v2, v0;
	v1 =	vadd.f32 v7, v1  }
0x84: {  	v2 =	vld [tilespmem:s22+$0x3760]  }
0x85: {  	v58 =	vld [tilespmem:s22+$0x3780];
	v0 =	vadd.f32 v8, v0;
	v1 =	vadd.f32 v55, v1  }
0x86: {  	v59 =	vld [tilespmem:s22+$0x3790]  }
0x87: {  	v60 =	vld [tilespmem:s22+$0x37B0];
	v0 =	vadd.f32 v56, v0;
	v1 =	vadd.f32 v3, v1  }
0x88: {  	v3 =	vld [tilespmem:s22+$0x37A0]  }
0x89: {  	v61 =	vld [tilespmem:s22+$0x37D0];
	v0 =	vadd.f32 v2, v0;
	v1 =	vadd.f32 v57, v1  }
0x8a: {  	v2 =	vld [tilespmem:s22+$0x37C0]  }
0x8b: {  	v62 =	vld [tilespmem:s22+$0x37E0];
	s21 =	sadd.s32 $0x1, s21;
	v0 =	vadd.f32 v58, v0;
	v1 =	vadd.f32 v59, v1  }
0x8c: {  	v63 =	vld [tilespmem:s22+$0x37F0];
	p0 =	sne.s32 s21, $0x1C  }
.Ltmp2:
0x8d: {  	v0 =	vadd.f32 v3, v0;
	v1 =	vadd.f32 v60, v1;
	(pc) =	sbr.rel @p0 .LBB2_2-.Ltmp2, $3  }
0x8e: {  	_ = 	snop  }
0x8f: {  	v0 =	vadd.f32 v2, v0;
	v2 =	vadd.f32 v61, v1;
	_ =	sdelay $0x1  }
0x90: {  	v1 =	vadd.f32 v62, v0;
	v0 =	vadd.f32 v63, v2  }
0x91: {  	s20 =	sadd.s32 $0x1, s20  }
0x92: {  	[tilespmem:$0x4500] =	vst v1;
	p0 =	sne.s32 s20, s8  }
.Ltmp3:
0x93: {  	[tilespmem:$0x4510] =	vst v0;
	(pc) =	sbr.rel @p0 .LBB2_1-.Ltmp3, $4  }
0x94: {  	[hbm4b:s7+s2] =	stream.linear.scatter [tilespmem:s19], [sflag:$0x4], $0x20, $0x38;
	[tilespmem:$0x4520] =	vst v63  }
0x95: {  	_ =	swait.ge [sflag:s9], $0x20  }
0x96: {  	[sflag:s9] =	ssyncset.done $0x0  }
0x97: {  	[sflag:s9] =	ssyncadd.s32 $0xFFFFFFE0  }
0x98: {  	_ =	sfence.sel $0x180000  }
0x99: {  	[bflag:$0x0] =	sbarrier.arrive $0xFFFF  }
0x9a: {  	p0 =	sne.s32 s1, $0x0;
	_ =	strace $0x90000047  }
0x9b: {  	s0 =	sadd.s32 @!p0 $0x100000, s0;
	[bflag:$0x2] =	sbarrier.arrive $0xFFFF  }
0x9c: {  	[sflag:s0] =	ssyncadd.tile.s32 @!p0 $0x1;
	_ =	shalt  }
.Lfunc_end2:
_tile_overlayer_lowered:
.L_overlay_start_2:
0x9d: {  	(tag) =	ssettag $0x2  }
0x9e: {  	s0 =	rddreg [dreg:$0x0];
	s2 =	stileid.u32  }
0x9f: {  	s1 =	rddreg [dreg:$0x1];
	p0 =	sne.s32 s2, $0x0  }
0xa0: {  	s3 =	rddreg [dreg:$0x2];
	[bflag:$0x3] =	sbarrier.arrive $0xFFFF;
	s2 =	simm.s32 @!p0 $0x1C04  }
0xa1: {  	[timem:s3], [sflag:s2] =	dma.local @!p0 [hbm:s0], s1  }
0xa2: {  	s0 =	simm.s32 @!p0 $0x4  }
0xa3: {  	_ =	swait.ge @!p0 [sflag:s0], s1  }
0xa4: {  	s1 =	ssub.s32 @!p0 $0x0, s1;
	[sflag:s0] =	ssyncset.done @!p0 $0x0  }
0xa5: {  	[sflag:s0] =	ssyncadd.s32 @!p0 s1  }
0xa6: {  	[bflag:$0x3] =	sbarrier.arrive $0xFFFF  }
0xa7: {  	_ =	shalt  }

</sc_bundles>
